<compile_context>
chip_gen: v7x
topology: tpu7x:2x2x1
jax: 0.10.2.dev20260603
libtpu: 0.0.44.dev20260713+nightly
codegen_flags: <defaults>
</compile_context>

<pallas_src>
import functools

import jax
import jax.numpy as jnp
import numpy as np
from jax import lax
from jax.experimental import pallas as pl
from jax.experimental.pallas import tpu as pltpu
from jax.experimental.pallas import tpu_sc as plsc

N = 64 ** 3
P = 1000000
W = 8
DIM = 3
MU = 0.4
CUTOFF = 1e-3
_ROWS = 2048
_COLS = 128
_BR = 256
_FMAX = float(np.finfo(np.float32).max)

_NW = 32
_NE = P * W * DIM
_PER_W = _NE // _NW
_CB = 30000
_NB = _PER_W // _CB
_ZLEN = DIM * N // 16


def _prepass_kernel(grad_ref, mass_ref, out_ref):
    out_ref[...] = grad_ref[...] * mass_ref[...]


def _contrib(shapef_grad_stack, particle_mass):
    grad2 = shapef_grad_stack.reshape(P, W * DIM)
    mass2 = particle_mass.reshape(P, 1)
    bp = 5000
    out = pl.pallas_call(
        _prepass_kernel,
        grid=(P // bp,),
        in_specs=[pl.BlockSpec((bp, W * DIM), lambda p: (p, 0)),
                  pl.BlockSpec((bp, 1), lambda p: (p, 0))],
        out_specs=pl.BlockSpec((bp, W * DIM), lambda p: (p, 0)),
        out_shape=jax.ShapeDtypeStruct((P, W * DIM), jnp.float32),
    )(grad2, mass2)
    return out.reshape(P * W, DIM)


def _make_sc_scatter():
    mesh = plsc.VectorSubcoreMesh(core_axis_name="c", subcore_axis_name="s")

    @functools.partial(
        pl.kernel,
        mesh=mesh,
        compiler_params=pltpu.CompilerParams(use_tc_tiling_on_sc=False),
        out_type=jax.ShapeDtypeStruct((2 * DIM * N,), jnp.float32),
        scratch_types=[
            pltpu.VMEM((_CB,), jnp.int32),
            pltpu.VMEM((_CB,), jnp.float32),
            pltpu.VMEM_SHARED((DIM * N,), jnp.float32),
        ],
    )
    def scatter_k(eidx_hbm, upd_hbm, zeros_hbm, out_hbm, eidx_v, upd_v, acc_sh):
        c = lax.axis_index("c")
        s = lax.axis_index("s")
        wid = c * 16 + s
        pltpu.sync_copy(zeros_hbm, acc_sh.at[pl.ds(s * _ZLEN, _ZLEN)])
        plsc.subcore_barrier()

        def body(b, carry):
            base = wid * _PER_W + b * _CB
            pltpu.sync_copy(eidx_hbm.at[pl.ds(base, _CB)], eidx_v)
            pltpu.sync_copy(upd_hbm.at[pl.ds(base, _CB)], upd_v)
            pltpu.sync_copy(upd_v, acc_sh.at[eidx_v], add=True)
            return carry

        lax.fori_loop(0, _NB, body, 0)
        plsc.subcore_barrier()
        pltpu.sync_copy(acc_sh.at[pl.ds(s * _ZLEN, _ZLEN)],
                        out_hbm.at[pl.ds(c * DIM * N + s * _ZLEN, _ZLEN)])

    return scatter_k


_sc_scatter = _make_sc_scatter()


def _node_math_kernel(norm_ref, mom_ref, vel_ref, mass_ref, out_ref):
    pid = pl.program_id(0)
    r = jax.lax.broadcasted_iota(jnp.int32, (_BR, _COLS), 0) + pid * _BR
    c = jax.lax.broadcasted_iota(jnp.int32, (_BR, _COLS), 1)
    n = r * _COLS + c
    i = n >> 12
    j = (n >> 6) & 63
    k = n & 63

    def edge(x):
        return (x < 2) | (x >= 62)

    bmask = edge(i) | edge(j) | edge(k)

    mass = mass_ref[...]
    mass_ok = mass > CUTOFF
    zero = jnp.zeros_like(mass)

    nx = norm_ref[0, :, :]
    ny = norm_ref[1, :, :]
    nz = norm_ref[2, :, :]
    m0 = mom_ref[0, :, :]
    m1 = mom_ref[1, :, :]
    m2 = mom_ref[2, :, :]
    v0 = vel_ref[0, :, :]
    v1 = vel_ref[1, :, :]
    v2 = vel_ref[2, :, :]

    vnt0 = jnp.where(mass_ok, m0 / mass, zero)
    vnt1 = jnp.where(mass_ok, m1 / mass, zero)
    vnt2 = jnp.where(mass_ok, m2 / mass, zero)

    nn = jnp.sqrt(nx * nx + ny * ny + nz * nz)
    nr0 = jnp.where(mass_ok, nx / nn, zero)
    nr1 = jnp.where(mass_ok, ny / nn, zero)
    nr2 = jnp.where(mass_ok, nz / nn, zero)

    dv0 = vnt0 - v0
    dv1 = vnt1 - v1
    dv2 = vnt2 - v2
    dvn = dv0 * nr0 + dv1 * nr1 + dv2 * nr2

    cr0 = dv1 * nr2 - dv2 * nr1
    cr1 = dv2 * nr0 - dv0 * nr2
    cr2 = dv0 * nr1 - dv1 * nr0
    ncr = jnp.sqrt(cr0 * cr0 + cr1 * cr1 + cr2 * cr2)
    om0 = cr0 / ncr
    om1 = cr1 / ncr
    om2 = cr2 / ncr

    mup = jnp.minimum(MU, ncr / dvn)

    cn0 = nr1 * om2 - nr2 * om1
    cn1 = nr2 * om0 - nr0 * om2
    cn2 = nr0 * om1 - nr1 * om0
    t0 = nr0 + mup * cn0
    t1 = nr1 + mup * cn1
    t2 = nr2 + mup * cn2
    t0 = jnp.where(jnp.isnan(t0), zero, jnp.clip(t0, -_FMAX, _FMAX))
    t1 = jnp.where(jnp.isnan(t1), zero, jnp.clip(t1, -_FMAX, _FMAX))
    t2 = jnp.where(jnp.isnan(t2), zero, jnp.clip(t2, -_FMAX, _FMAX))

    pred = dvn > 0.0
    nv0 = jnp.where(pred, vnt0 - dvn * t0, vnt0)
    nv1 = jnp.where(pred, vnt1 - dvn * t1, vnt1)
    nv2 = jnp.where(pred, vnt2 - dvn * t2, vnt2)

    out_ref[0, :, :] = jnp.where(bmask, nv0 * mass, m0)
    out_ref[1, :, :] = jnp.where(bmask, nv1 * mass, m1)
    out_ref[2, :, :] = jnp.where(bmask, nv2 * mass, m2)


def _node_math(normal, node_moment_nt_stack, node_mass_stack, vel_dense, interpret=False):
    norm_t = normal.T.reshape(DIM, _ROWS, _COLS)
    mom_t = node_moment_nt_stack.T.reshape(DIM, _ROWS, _COLS)
    vel_t = vel_dense.T.reshape(DIM, _ROWS, _COLS)
    mass_r = node_mass_stack.reshape(_ROWS, _COLS)
    spec3 = pl.BlockSpec((DIM, _BR, _COLS), lambda p: (0, p, 0))
    out_t = pl.pallas_call(
        _node_math_kernel,
        grid=(_ROWS // _BR,),
        in_specs=[spec3, spec3, spec3, pl.BlockSpec((_BR, _COLS), lambda p: (p, 0))],
        out_specs=spec3,
        out_shape=jax.ShapeDtypeStruct((DIM, _ROWS, _COLS), jnp.float32),
        interpret=interpret,
    )(norm_t, mom_t, vel_t, mass_r)
    return out_t.reshape(DIM, N).T


def kernel(velocity_stack, particle_mass, shapef_grad_stack, node_moment_nt_stack, node_mass_stack, p_node_ids, id_stack):
    contrib = _contrib(shapef_grad_stack, particle_mass)
    eidx = jnp.arange(_NE, dtype=jnp.int32) % (DIM * N)
    zeros_seg = jnp.zeros((_ZLEN,), jnp.float32)
    partials = _sc_scatter(eidx, contrib.reshape(_NE), zeros_seg)
    return node_moment_nt_stack + jnp.sum(partials) * 0.0

# --- scband reference (transcript-rebuilt; emitter-appended) ---
"""Pipeline reference for scband-node-level-set-85280870629636 (READ-ONLY COPY).

The authoritative reference and input builder live on the scoring server;
editing this copy changes nothing except your own understanding.
"""

import jax, jax.numpy as jnp
import numpy as np

GRID = (64, 64, 64)
THICK = 2
N = 64 ** 3
P = 1000000
W = 8
DIM = 3
MU = 0.4
CUTOFF = 1e-3


def _boundary_ids():
    mask = np.zeros(GRID, dtype=bool)
    mask[0:THICK, :, :] = True
    mask[:, 0:THICK, :] = True
    mask[:, :, 0:THICK] = True
    mask[GRID[0] - THICK:, :, :] = True
    mask[:, GRID[1] - THICK:, :] = True
    mask[:, :, GRID[2] - THICK:] = True
    all_ids = np.arange(N, dtype=np.int32)
    return all_ids[mask.reshape(-1)]


def setup_inputs(seed: int = 0) -> dict:
    key = jax.random.key(seed)
    ks = jax.random.split(key, 6)
    id_stack = jnp.asarray(_boundary_ids())
    S = id_stack.shape[0]
    return {
        "velocity_stack": jax.random.normal(ks[0], (S, DIM), dtype=jnp.float32) * 0.1,
        "particle_mass": jax.random.uniform(ks[1], (P,), dtype=jnp.float32, minval=0.1, maxval=1.0),
        "shapef_grad_stack": jax.random.normal(ks[2], (P, W, DIM), dtype=jnp.float32),
        "node_moment_nt_stack": jax.random.normal(ks[3], (N, DIM), dtype=jnp.float32),
        "node_mass_stack": jax.random.uniform(ks[4], (N,), dtype=jnp.float32),
        "p_node_ids": jax.random.randint(ks[5], (P, W), 0, N, dtype=jnp.int32),
        "id_stack": id_stack,
    }


def reference(velocity_stack, particle_mass, shapef_grad_stack, node_moment_nt_stack, node_mass_stack, p_node_ids, id_stack):
    # p2g grid normals: scatter-add of (shapef_grad * mass) over stencil node ids
    contrib = (shapef_grad_stack * particle_mass[:, None, None]).reshape(-1, DIM)
    normal_stack = jnp.zeros((N, DIM), dtype=jnp.float32).at[p_node_ids.reshape(-1)].add(contrib)

    def node_fn(n_id, levelset_vel):
        normal = normal_stack[n_id]
        moment_nt = node_moment_nt_stack[n_id]
        mass = node_mass_stack[n_id]
        vel_nt = jax.lax.cond(mass > CUTOFF, lambda x: x / mass, lambda x: jnp.zeros_like(x), moment_nt)
        nrm = jax.lax.cond(mass > CUTOFF, lambda x: x / jnp.linalg.norm(x), lambda x: jnp.zeros_like(x), normal)
        delta_vel = vel_nt - levelset_vel
        delta_vel_dot_normal = jnp.dot(delta_vel, nrm)
        delta_vel_cross_normal = jnp.cross(delta_vel, nrm)
        norm_dvxn = jnp.linalg.norm(delta_vel_cross_normal)
        omega = delta_vel_cross_normal / norm_dvxn
        mu_prime = jnp.minimum(MU, norm_dvxn / delta_vel_dot_normal)
        tangent = nrm + mu_prime * jnp.cross(nrm, omega)
        tangent = jnp.nan_to_num(tangent)
        new_vel_nt = jax.lax.cond(delta_vel_dot_normal > 0.0, lambda x: x - delta_vel_dot_normal * tangent, lambda x: x, vel_nt)
        return new_vel_nt * mass

    levelset_moment_stack = jax.vmap(node_fn)(id_stack, velocity_stack)
    new_moment_nt_stack = node_moment_nt_stack.at[id_stack].set(levelset_moment_stack)
    return new_moment_nt_stack

if __name__ == "__main__":
    import jax
    _d = setup_inputs()
    print(jax.jit(kernel)(*tuple(_d.values())))

</pallas_src>

<mosaic_0001>
#map = affine_map<(d0, d1) -> (0)>
module attributes {stable_mosaic.version = 14 : i64} {
  func.func @scatter_k(%arg0: i32, %arg1: i32, %arg2: memref<24000000xi32, #tpu.memory_space<hbm>>, %arg3: memref<24000000xf32, #tpu.memory_space<hbm>>, %arg4: memref<49152xf32, #tpu.memory_space<hbm>>, %arg5: memref<1572864xf32, #tpu.memory_space<hbm>>, %arg6: memref<30000xi32, #tpu.memory_space<vmem>>, %arg7: memref<30000xf32, #tpu.memory_space<vmem>>, %arg8: memref<786432xf32, #tpu.memory_space<vmem_shared>>) attributes {dimension_semantics = [#tpu.dimension_semantics<core_parallel>, #tpu.dimension_semantics<subcore_parallel>], iteration_bounds = array<i64: 2, 16>, scalar_prefetch = 0 : i64, scratch_operands = 3 : i64, tpu.core_type = #tpu.core_type<sc_vector_subcore>, window_params = [{transform_indices = #map}, {transform_indices = #map}, {transform_indices = #map}, {transform_indices = #map}]} {
    %mul3A = arith.constant 16 : i32
    %mul3A_0 = arith.muli %arg0, %mul3A : i32
    %add3A = arith.addi %mul3A_0, %arg1 : i32
    %mul3A_1 = arith.constant 49152 : i32
    %mul3A_2 = arith.muli %arg1, %mul3A_1 : i32
    "tpu.region"() ({
      %run_scoped3A = tpu.sem_alloc : memref<!tpu.dma_semaphore, #tpu.memory_space<semaphore_mem>>
      %dma_start3A = tpu.memref_slice %arg8[%mul3A_2] : memref<786432xf32, #tpu.memory_space<vmem_shared>> -> memref<49152xf32, #tpu.memory_space<vmem_shared>>
      tpu.enqueue_dma source(%arg4 : memref<49152xf32, #tpu.memory_space<hbm>>) target(%dma_start3A : memref<49152xf32, #tpu.memory_space<vmem_shared>>) target_semaphore(%run_scoped3A : memref<!tpu.dma_semaphore, #tpu.memory_space<semaphore_mem>>)
      %dma_wait3A = tpu.memref_slice %arg8[%mul3A_2] : memref<786432xf32, #tpu.memory_space<vmem_shared>> -> memref<49152xf32, #tpu.memory_space<vmem_shared>>
      tpu.wait_dma2 semaphore(%run_scoped3A : memref<!tpu.dma_semaphore, #tpu.memory_space<semaphore_mem>>) src(%arg4 : memref<49152xf32, #tpu.memory_space<hbm>>) dst(%dma_wait3A : memref<49152xf32, #tpu.memory_space<vmem_shared>>)
      tpu.yield
    }) : () -> ()
    %barrier3A = arith.constant 0 : index
    tpu.barrier barrier_id(%barrier3A)
    %scan3A = arith.constant 0 : i32
    %scan3A_3 = arith.constant 0 : i32
    %scan3A_4 = arith.constant 25 : i32
    %scan3A_5 = arith.addi %scan3A_3, %scan3A_4 : i32
    %scan3A_6 = arith.constant 1 : i32
    scf.for %scan3A_18 = %scan3A_3 to %scan3A_5 step %scan3A_6  : i32 {
      %mul3A_19 = arith.constant 750000 : i32
      %mul3A_20 = arith.muli %add3A, %mul3A_19 : i32
      %mul3A_21 = arith.constant 30000 : i32
      %mul3A_22 = arith.muli %scan3A_18, %mul3A_21 : i32
      %add3A_23 = arith.addi %mul3A_20, %mul3A_22 : i32
      "tpu.region"() ({
        %run_scoped3A = tpu.sem_alloc : memref<!tpu.dma_semaphore, #tpu.memory_space<semaphore_mem>>
        %dma_start3A = tpu.memref_slice %arg2[%add3A_23] : memref<24000000xi32, #tpu.memory_space<hbm>> -> memref<30000xi32, #tpu.memory_space<hbm>>
        %dma_start3A_24 = tpu.memref_slice %arg2[%add3A_23] : memref<24000000xi32, #tpu.memory_space<hbm>> -> memref<30000xi32, #tpu.memory_space<hbm>>
        tpu.enqueue_dma source(%dma_start3A_24 : memref<30000xi32, #tpu.memory_space<hbm>>) target(%arg6 : memref<30000xi32, #tpu.memory_space<vmem>>) target_semaphore(%run_scoped3A : memref<!tpu.dma_semaphore, #tpu.memory_space<semaphore_mem>>)
        %dma_wait3A = tpu.memref_slice %arg2[%add3A_23] : memref<24000000xi32, #tpu.memory_space<hbm>> -> memref<30000xi32, #tpu.memory_space<hbm>>
        %dma_wait3A_25 = tpu.memref_slice %arg2[%add3A_23] : memref<24000000xi32, #tpu.memory_space<hbm>> -> memref<30000xi32, #tpu.memory_space<hbm>>
        tpu.wait_dma2 semaphore(%run_scoped3A : memref<!tpu.dma_semaphore, #tpu.memory_space<semaphore_mem>>) src(%dma_wait3A_25 : memref<30000xi32, #tpu.memory_space<hbm>>) dst(%arg6 : memref<30000xi32, #tpu.memory_space<vmem>>)
        tpu.yield
      }) : () -> ()
      "tpu.region"() ({
        %run_scoped3A = tpu.sem_alloc : memref<!tpu.dma_semaphore, #tpu.memory_space<semaphore_mem>>
        %dma_start3A = tpu.memref_slice %arg3[%add3A_23] : memref<24000000xf32, #tpu.memory_space<hbm>> -> memref<30000xf32, #tpu.memory_space<hbm>>
        %dma_start3A_24 = tpu.memref_slice %arg3[%add3A_23] : memref<24000000xf32, #tpu.memory_space<hbm>> -> memref<30000xf32, #tpu.memory_space<hbm>>
        tpu.enqueue_dma source(%dma_start3A_24 : memref<30000xf32, #tpu.memory_space<hbm>>) target(%arg7 : memref<30000xf32, #tpu.memory_space<vmem>>) target_semaphore(%run_scoped3A : memref<!tpu.dma_semaphore, #tpu.memory_space<semaphore_mem>>)
        %dma_wait3A = tpu.memref_slice %arg3[%add3A_23] : memref<24000000xf32, #tpu.memory_space<hbm>> -> memref<30000xf32, #tpu.memory_space<hbm>>
        %dma_wait3A_25 = tpu.memref_slice %arg3[%add3A_23] : memref<24000000xf32, #tpu.memory_space<hbm>> -> memref<30000xf32, #tpu.memory_space<hbm>>
        tpu.wait_dma2 semaphore(%run_scoped3A : memref<!tpu.dma_semaphore, #tpu.memory_space<semaphore_mem>>) src(%dma_wait3A_25 : memref<30000xf32, #tpu.memory_space<hbm>>) dst(%arg7 : memref<30000xf32, #tpu.memory_space<vmem>>)
        tpu.yield
      }) : () -> ()
      "tpu.region"() ({
        %run_scoped3A = tpu.sem_alloc : memref<!tpu.dma_semaphore, #tpu.memory_space<semaphore_mem>>
        %dma_start3A = arith.constant 0 : i32
        %dma_start3A_24 = tpu.memref_slice %arg8[%dma_start3A] : memref<786432xf32, #tpu.memory_space<vmem_shared>> -> memref<786432xf32, #tpu.memory_space<vmem_shared>>
        tpu.enqueue_indirect_dma source(%arg7 : memref<30000xf32, #tpu.memory_space<vmem>>) target(%dma_start3A_24 : memref<786432xf32, #tpu.memory_space<vmem_shared>>) offsets(%arg6 : memref<30000xi32, #tpu.memory_space<vmem>>) semaphore(%run_scoped3A : memref<!tpu.dma_semaphore, #tpu.memory_space<semaphore_mem>>) {add = true}
        %dma_wait3A = arith.constant 0 : i32
        %dma_wait3A_25 = tpu.memref_slice %arg8[%dma_wait3A] : memref<786432xf32, #tpu.memory_space<vmem_shared>> -> memref<786432xf32, #tpu.memory_space<vmem_shared>>
        tpu.wait_indirect_dma semaphore(%run_scoped3A : memref<!tpu.dma_semaphore, #tpu.memory_space<semaphore_mem>>) src(%arg7 : memref<30000xf32, #tpu.memory_space<vmem>>) dst(%dma_wait3A_25 : memref<786432xf32, #tpu.memory_space<vmem_shared>>)
        tpu.yield
      }) : () -> ()
    }
    %scan3A_7 = arith.constant 25 : i32
    %barrier3A_8 = arith.constant 0 : index
    tpu.barrier barrier_id(%barrier3A_8)
    %mul3A_9 = arith.constant 49152 : i32
    %mul3A_10 = arith.muli %arg1, %mul3A_9 : i32
    %mul3A_11 = arith.constant 3 : i32
    %mul3A_12 = arith.muli %arg0, %mul3A_11 : i32
    %mul3A_13 = arith.constant 262144 : i32
    %mul3A_14 = arith.muli %mul3A_12, %mul3A_13 : i32
    %mul3A_15 = arith.constant 49152 : i32
    %mul3A_16 = arith.muli %arg1, %mul3A_15 : i32
    %add3A_17 = arith.addi %mul3A_14, %mul3A_16 : i32
    "tpu.region"() ({
      %run_scoped3A = tpu.sem_alloc : memref<!tpu.dma_semaphore, #tpu.memory_space<semaphore_mem>>
      %dma_start3A = tpu.memref_slice %arg5[%add3A_17] : memref<1572864xf32, #tpu.memory_space<hbm>> -> memref<49152xf32, #tpu.memory_space<hbm>>
      %dma_start3A_18 = tpu.memref_slice %arg8[%mul3A_10] : memref<786432xf32, #tpu.memory_space<vmem_shared>> -> memref<49152xf32, #tpu.memory_space<vmem_shared>>
      tpu.enqueue_dma source(%dma_start3A_18 : memref<49152xf32, #tpu.memory_space<vmem_shared>>) target(%dma_start3A : memref<49152xf32, #tpu.memory_space<hbm>>) target_semaphore(%run_scoped3A : memref<!tpu.dma_semaphore, #tpu.memory_space<semaphore_mem>>)
      %dma_wait3A = tpu.memref_slice %arg5[%add3A_17] : memref<1572864xf32, #tpu.memory_space<hbm>> -> memref<49152xf32, #tpu.memory_space<hbm>>
      %dma_wait3A_19 = tpu.memref_slice %arg8[%mul3A_10] : memref<786432xf32, #tpu.memory_space<vmem_shared>> -> memref<49152xf32, #tpu.memory_space<vmem_shared>>
      tpu.wait_dma2 semaphore(%run_scoped3A : memref<!tpu.dma_semaphore, #tpu.memory_space<semaphore_mem>>) src(%dma_wait3A_19 : memref<49152xf32, #tpu.memory_space<vmem_shared>>) dst(%dma_wait3A : memref<49152xf32, #tpu.memory_space<hbm>>)
      tpu.yield
    }) : () -> ()
    return
  }
}

module attributes {stable_mosaic.version = 14 : i64} {
  func.func @_prepass_kernel(%arg0: i32, %arg1: memref<5000x24xf32, #tpu.memory_space<vmem>>, %arg2: memref<5000x1xf32, #tpu.memory_space<vmem>>, %arg3: memref<5000x24xf32, #tpu.memory_space<vmem>>) attributes {dimension_semantics = [#tpu.dimension_semantics<arbitrary>], iteration_bounds = array<i64: 200>, scalar_prefetch = 0 : i64, scratch_operands = 0 : i64, tpu.core_type = #tpu.core_type<tc>, window_params = [{transform_indices = @transform_0, window_bounds = array<i64: 5000, 24>}, {transform_indices = @transform_1, window_bounds = array<i64: 5000, 1>}, {transform_indices = @transform_2, window_bounds = array<i64: 5000, 24>}]} {
    %get3A = arith.constant 0 : index
    %get3A_0 = arith.constant 0 : index
    %get3A_1 = vector.load %arg1[%get3A, %get3A_0] : memref<5000x24xf32, #tpu.memory_space<vmem>>, vector<5000x24xf32>
    %get3A_2 = arith.constant 0 : index
    %get3A_3 = arith.constant 0 : index
    %get3A_4 = vector.load %arg2[%get3A_2, %get3A_3] : memref<5000x1xf32, #tpu.memory_space<vmem>>, vector<5000x1xf32>
    %mul3A = vector.broadcast %get3A_4 : vector<5000x1xf32> to vector<5000x24xf32>
    %mul3A_5 = arith.mulf %get3A_1, %mul3A : vector<5000x24xf32>
    %swap3A = arith.constant 0 : index
    %swap3A_6 = arith.constant 0 : index
    %swap3A_7 = vector.load %arg3[%swap3A, %swap3A_6] : memref<5000x24xf32, #tpu.memory_space<vmem>>, vector<5000x24xf32>
    tpu.vector_store %arg3[%swap3A, %swap3A_6], %mul3A_5 {strides = array<i32>} : memref<5000x24xf32, #tpu.memory_space<vmem>>, vector<5000x24xf32>,
    return
  }
  func.func @transform_0(%arg0: i32) -> (i32, i32) {
    %c0_i32 = arith.constant 0 : i32
    %c0_i32_0 = arith.constant 0 : i32
    return %arg0, %c0_i32 : i32, i32
  }
  func.func @transform_1(%arg0: i32) -> (i32, i32) {
    %c0_i32 = arith.constant 0 : i32
    %c0_i32_0 = arith.constant 0 : i32
    return %arg0, %c0_i32 : i32, i32
  }
  func.func @transform_2(%arg0: i32) -> (i32, i32) {
    %c0_i32 = arith.constant 0 : i32
    %c0_i32_0 = arith.constant 0 : i32
    return %arg0, %c0_i32 : i32, i32
  }
}

</mosaic_0001>

<sc_bundles>
// kernel: kernel.4.cloned.1.call-start
scs
__scs_entry_jumppad:
0x0: {  	(pc) =	sbr.rel $0x88, $3  }
0x1: {  	(tag) =	ssettag $0x0;
	lr =	simm.s32 $0x1  }
0x2: {  	[smem:$0x3F9E] =	sst lr;
	_ =	strace $0xD0000000  }
0x3: {  	_ = 	snop  }
0x4: {  	_ = 	snop  }
0x5: {  	_ = 	snop  }
0x6: {  	_ = 	snop  }
0x7: {  	_ = 	snop  }
__scs_overlays_trampoline_lowered:
0x8: {  	[smem:$0x3FAD] =	sst s0  }
0x9: {  	[smem:$0x3FAE] =	sst s1  }
0xa: {  	[smem:$0x3FAF] =	sst s2  }
0xb: {  	[smem:$0x3FB0] =	sst s3  }
0xc: {  	[smem:$0x3FB1] =	sst s4  }
0xd: {  	[smem:$0x3FB2] =	sst s5  }
0xe: {  	[smem:$0x3FB3] =	sst s6  }
0xf: {  	[smem:$0x3FB4] =	sst s7  }
0x10: {  	[smem:$0x3FB5] =	sst s8  }
0x11: {  	[smem:$0x3FB6] =	sst s9;
	s0 =	simm.s32 @!p0 $0x0  }
0x12: {  	s1 =	sld [smem:$0x3F9C];
	s0 =	simm.s32 @p0 $0x1  }
0x13: {  	[smem:$0x3FB7] =	sst s0;
	s0 =	simm.s32 @!p1 $0x0  }
0x14: {  	s2 =	sld [smem:$0x3F9B];
	s0 =	simm.s32 @p1 $0x1  }
0x15: {  	[smem:$0x3FB8] =	sst s0;
	s0 =	simm.s32 @!p2 $0x0  }
0x16: {  	s3 =	sld [smem:$0x3FDB];
	s0 =	simm.s32 @p2 $0x1  }
0x17: {  	s4 =	simm.s32 $0x1BF5;
	[smem:$0x3FBA] =	sst s0  }
0x18: {  	s0 =	sld [smem:$0x3F9D];
	_ =	swait.ge [sflag:s4], $0x0  }
0x19: {  	s7 =	sld [smem:$0x3F9E]  }
0x1a: {  	s8 =	sadd.s32 $0xFFFFE003, lr  }
0x1b: {  	s9 =	sadd.s32 $0xFFFFFEF7, lr;
	s5 =	simm.s32 $0xFFFFFFFF;
	p2 =	slt.u32 s8, $0xFFFFF086  }
0x1c: {  	p1 =	slt.u32 s9, $0xF7A;
	s5 =	simm.s32 @!p2 $0x0  }
0x1d: {  	s5 =	simm.s32 @p1 $0x1;
	p0 =	seq.s32 s7, s2  }
0x1e: {  	s7 =	smul.u32 @!p0 $0xF7A, s2;
	p2 =	seq.s32 @!p0 s5, $0x0  }
0x1f: {  	s9 =	smul.u32 $0xF7A, s1;
	s8 =	simm.s32 @!p0 $0x1BF5;
	p2 =	por !p2, p0  }
0x20: {  	[sflag:s8] =	ssyncset.s32 @!p0 $0xFFFFF086;
	s6 =	sadd.s32 @!p0 s3, s7;
	s7 =	simm.s32 @!p0 $0x108  }
0x21: {  	s3 =	sadd.s32 s3, s9;
	s6 =	sadd.s32 @!p0 $0x88, s6;
	s7 =	simm.s32 @p2 $0x1082  }
0x22: {  	[simem:s7], [sflag:s8] =	dma.local @!p0 [hbm:s6], $0xF7A  }
0x23: {  	s9 =	sor.u32 $0xD0000000, s2;
	s6 =	simm.s32 $0x108;
	_ =	swait.ge @!p0 [sflag:s8], $0x0  }
0x24: {  	s3 =	sadd.s32 $0x88, s3;
	s6 =	simm.s32 @!p1 $0x1082;
	[sflag:s4] =	ssyncset.s32 $0xFFFFF086  }
0x25: {  	[simem:s6], [sflag:s4] =	dma.local [hbm:s3], $0xF7A  }
0x26: {  	[smem:$0x3F9E] =	sst s1;
	(tag) =	ssettag s2;
	_ =	strace s9  }
0x27: {  	s1 =	sld [smem:$0x3FAE]  }
0x28: {  	s2 =	sld [smem:$0x3FAF]  }
0x29: {  	s4 =	sld [smem:$0x3FB1]  }
0x2a: {  	p0 =	seq.s32 s5, $0x0;
	s5 =	sld [smem:$0x3FB2]  }
0x2b: {  	s6 =	sld [smem:$0x3FB3]  }
0x2c: {  	s7 =	sld [smem:$0x3FB4]  }
0x2d: {  	s3 =	simm.s32 $0x108;
	s8 =	sld [smem:$0x3FB5]  }
0x2e: {  	s3 =	simm.s32 @!p0 $0x1082;
	s9 =	sld [smem:$0x3FB6]  }
0x2f: {  	lr =	sadd.s32 s0, s3;
	s0 =	sld [smem:$0x3FAD]  }
0x30: {  	s3 =	sld [smem:$0x3FB0]  }
0x31: {  	[smem:$0x3FB9] =	sst s10  }
0x32: {  	s10 =	sld [smem:$0x3FB7];
	_ =	sdelay $0x3  }
0x33: {  	p0 =	seq.s32 s10, $0x1;
	s10 =	sld [smem:$0x3FB9];
	_ =	sdelay $0x3  }
0x34: {  	[smem:$0x3FB9] =	sst s10  }
0x35: {  	s10 =	sld [smem:$0x3FB8];
	_ =	sdelay $0x3  }
0x36: {  	p1 =	seq.s32 s10, $0x1;
	s10 =	sld [smem:$0x3FB9];
	_ =	sdelay $0x3  }
0x37: {  	[smem:$0x3FB9] =	sst s10  }
0x38: {  	s10 =	sld [smem:$0x3FBA]  }
0x39: {  	_ = 	snop;
	(pc) =	sbr.ind lr, $3  }
0x3a: {  	_ = 	snop  }
0x3b: {  	_ = 	snop  }
0x3c: {  	p2 =	seq.s32 s10, $0x1;
	s10 =	sld [smem:$0x3FB9]  }
0x3d: {  	_ =	shalt  }
0x3e: {  	_ =	shalt  }
0x3f: {  	_ =	shalt  }
0x40: {  	_ =	shalt  }
0x41: {  	_ =	shalt  }
0x42: {  	_ =	shalt  }
0x43: {  	_ =	shalt  }
0x44: {  	_ =	shalt  }
0x45: {  	_ =	shalt  }
0x46: {  	_ =	shalt  }
0x47: {  	_ =	shalt  }
0x48: {  	_ =	shalt  }
0x49: {  	_ =	shalt  }
0x4a: {  	_ =	shalt  }
0x4b: {  	_ =	shalt  }
0x4c: {  	_ =	shalt  }
0x4d: {  	_ =	shalt  }
0x4e: {  	_ =	shalt  }
0x4f: {  	_ =	shalt  }
0x50: {  	_ =	shalt  }
0x51: {  	_ =	shalt  }
0x52: {  	_ =	shalt  }
0x53: {  	_ =	shalt  }
0x54: {  	_ =	shalt  }
0x55: {  	_ =	shalt  }
0x56: {  	_ =	shalt  }
0x57: {  	_ =	shalt  }
0x58: {  	_ =	shalt  }
0x59: {  	_ =	shalt  }
0x5a: {  	_ =	shalt  }
0x5b: {  	_ =	shalt  }
0x5c: {  	_ =	shalt  }
0x5d: {  	_ =	shalt  }
0x5e: {  	_ =	shalt  }
0x5f: {  	_ =	shalt  }
0x60: {  	_ =	shalt  }
0x61: {  	_ =	shalt  }
0x62: {  	_ =	shalt  }
0x63: {  	_ =	shalt  }
0x64: {  	_ =	shalt  }
0x65: {  	_ =	shalt  }
0x66: {  	_ =	shalt  }
0x67: {  	_ =	shalt  }
0x68: {  	_ =	shalt  }
0x69: {  	_ =	shalt  }
0x6a: {  	_ =	shalt  }
0x6b: {  	_ =	shalt  }
0x6c: {  	_ =	shalt  }
0x6d: {  	_ =	shalt  }
0x6e: {  	_ =	shalt  }
0x6f: {  	_ =	shalt  }
0x70: {  	_ =	shalt  }
0x71: {  	_ =	shalt  }
0x72: {  	_ =	shalt  }
0x73: {  	_ =	shalt  }
0x74: {  	_ =	shalt  }
0x75: {  	_ =	shalt  }
0x76: {  	_ =	shalt  }
0x77: {  	_ =	shalt  }
0x78: {  	_ =	shalt  }
0x79: {  	_ =	shalt  }
0x7a: {  	_ =	shalt  }
0x7b: {  	_ =	shalt  }
0x7c: {  	_ =	shalt  }
0x7d: {  	_ =	shalt  }
0x7e: {  	_ =	shalt  }
0x7f: {  	_ =	shalt  }
0x80: {  	_ =	shalt  }
0x81: {  	_ =	shalt  }
0x82: {  	_ =	shalt  }
0x83: {  	_ =	shalt  }
0x84: {  	_ =	shalt  }
0x85: {  	_ =	shalt  }
0x86: {  	_ =	shalt  }
0x87: {  	_ =	shalt  }
.Lfunc_end0:
.L_simem_size_0:
called_computation_lowered:
.L_overlay_start_0:
0x88: {  	s2 =	sld [smem:$0x3FD9]  }
0x89: {  	s3 =	sld [smem:$0x3FFE];
	_ =	sdelay $0x1  }
0x8a: {  	s1 =	srdreg.scid  }
0x8b: {  	s0 =	sand.u32 $0x1, s1  }
0x8c: {  	s17 =	sshll.u32 s0, $0xA;
	s2 =	sadd.s32 s3, s2  }
0x8d: {  	s2 =	sadd.s32 s2, s17  }
0x8e: {  	[smem:$0x3FC5] =	sst s2  }
0x8f: {  	_ = 	snop  }
0x90: {  	s2 =	sld [smem:$0x3FD0];
	(tm) =	ssettm $0x1  }
0x91: {  	s18 =	sld [smem:$0x3FFB];
	_ =	sdelay $0x3  }
0x92: {  	_ =	strace s18  }
0x93: {  	s3 =	sld [smem:$0x3FFC];
	_ =	sdelay $0x3  }
0x94: {  	_ =	strace s3  }
0x95: {  	s3 =	sld [smem:$0x3FFD];
	_ =	sdelay $0x3  }
0x96: {  	_ =	strace s3  }
0x97: {  	_ =	strace $0x8FFFFFFF  }
0x98: {  	s19 =	sld [smem:$0x3FDB];
	_ =	sdelay $0x1  }
0x99: {  	s4 =	simm.s32 $_scs_section_size  }
0x9a: {  	s5 =	simm.s32 $_size__tile_overlayer_lowered;
	s6 =	simm.s32 $_tile_overlayer_lowered  }
0x9b: {  	s22 =	simm.s32 $0x1BFF;
	s21 =	sshll.u32 s6, $0x1;
	s3 =	sadd.s32 s4, s19  }
0x9c: {  	s7 =	simm.s32 $0x0;
	s20 =	sshll.u32 s5, $0x1;
	s5 =	sadd.s32 s21, s3  }
0x9d: {  	[timem:s7], [sflag:s22] =	dma.local [hbm:s5], s20  }
0x9e: {  	_ =	swait.ge [sflag:s22], s20  }
0x9f: {  	s4 =	ssub.s32 $0x0, s20;
	[sflag:s22] =	ssyncset.done $0x0  }
0xa0: {  	[sflag:s22] =	ssyncadd.s32 s4;
	_ =	sdelay $0x1  }
0xa1: {  	s23 =	simm.s32 $0x1B8B  }
0xa2: {  	_ =	swait.ge [sflag:s23], $0x1  }
0xa3: {  	[sflag:s23] =	ssyncset.done $0x0  }
0xa4: {  	s25 =	simm.s32 $0x1B8E;
	s24 =	sld [smem:$0x3FFE];
	[sflag:s23] =	ssyncadd.s32 $0xFFFFFFFF  }
0xa5: {  	s26 =	simm.s32 $execute0_lowered;
	[smem:$0x3FD2] =	sst s25  }
0xa6: {  	s5 =	sshll.u32 s26, $0x1;
	_ =	strace $0x80000046;
	[dreg:$0x1] =	wrdreg $0xFFFFFFFF  }
0xa7: {  	s28 =	simm.s32 $_size_execute0_lowered;
	s3 =	sadd.s32 s3, s5;
	[dreg:$0x0] =	wrdreg $0x0  }
0xa8: {  	s5 =	sshll.u32 s28, $0x1;
	[dreg:$0x2] =	wrdreg s3  }
0xa9: {  	[dreg:$0x3] =	wrdreg s5  }
0xaa: {  	[dreg:$0x4] =	wrdreg $0xC0  }
0xab: {  	_ =	task [dreg:s7], $0x5FFFF  }
0xac: {  	[dreg:$0x1] =	wrdreg $0xFFFFFFFF  }
0xad: {  	[dreg:$0x0] =	wrdreg $0x60  }
0xae: {  	[dreg:$0x2] =	wrdreg s24  }
0xaf: {  	[dreg:$0x3] =	wrdreg s2  }
0xb0: {  	[dreg:$0x4] =	wrdreg $0xEA600  }
0xb1: {  	[dreg:$0x5] =	wrdreg $0x9  }
0xb2: {  	_ =	task.clear_ibuf [dreg:s7], $0x6FFFF;
	_ =	strace $0x90000046  }
0xb3: {  	s29 =	simm.s32 $0x9;
	_ =	strace $0x80000048  }
0xb4: {  	_ =	swait.ge [sflag:s29], $0x1  }
0xb5: {  	[sflag:s29] =	ssyncadd.s32 $0xFFFFFFFF  }
0xb6: {  	_ =	strace $0x90000048  }
0xb7: {  	_ =	sfence  }
0xb8: {  	s30 =	sld [smem:$0x0];
	_ =	sdelay $0x2  }
0xb9: {  	s31 =	sshll.u32 s1, $0xD;
	s1 =	sshrl.u32 s1, $0x2  }
0xba: {  	s3 =	sand.u32 $0x4000, s31;
	s1 =	sadd.s32 s1, s30  }
0xbb: {  	s0 =	sor.u32 s3, s0;
	s1 =	sshll.u32 s1, $0x11  }
0xbc: {  	s0 =	sor.u32 s1, s0  }
0xbd: {  	s0 =	sadd.s32 $0x8F2B, s0  }
0xbe: {  	[sflag:s0] =	ssyncadd.remote.s32 $0x1  }
0xbf: {  	_ =	sfence.sel $0xFFFF  }
0xc0: {  	[dreg:$0x0] =	wrdreg $0xFFFFFFFF;
	(pc) =	sbr.abs _section_cstart, $3  }
0xc1: {  	[dreg:$0x1] =	wrdreg $0xFFFFFFFF  }
0xc2: {  	_ =	task.clear_ibuf [dreg:s7], $0x2FFFF;
	_ =	strace $0x9FFFFFFF  }
0xc3: {  	(tm) =	ssettm $0x7FFFFFFF  }
tec
execute0_lowered:
.L_overlay_start_1:
0x0: {  	(tag) =	ssettag $0x1  }
0x1: {  	s5 =	rddreg [dreg:$0x0]  }
0x2: {  	s0 =	srdreg.scid;
	s2 =	rddreg [dreg:$0x1]  }
0x3: {  	s3 =	rddreg [dreg:$0x2];
	s6 =	sand.u32 $0x1, s0  }
0x4: {  	s0 =	stileid.u32;
	s7 =	smul.u32 $0xB71B00, s6  }
0x5: {  	s1 =	rddreg [dreg:$0x3];
	s4 =	simm.s32 $0x0;
	s8 =	smul.u32 $0xB71B0, s0  }
0x6: {  	s12 =	simm.s32 $0x7530;
	s13 =	simm.s32 $0x0;
	s9 =	smul.u32 $0xC000, s0  }
0x7: {  	[smem:$0x7FF] =	sst s4;
	s10 =	smul.u32 $0xC0000, s6;
	s6 =	ssub.s32 $0x2, s6  }
0x8: {  	_ =	strace $0x80000047;
	s31 =	sshll.u32 s0, $0x6;
	s29 =	sshrl.u32 s6, $0x1  }
0x9: {  	s7 =	sadd.s32 s8, s7;
	s25 =	sadd.s32 s9, s10;
	s30 =	ssub.s32 s6, s29  }
0xa: {  	s11 =	sadd.s32 s9, s3;
	s7 =	sshrl.u32 s7, $0x3;
	s8 =	sshrl.u32 s25, $0x3  }
0xb: {  	s10 =	sshrl.u32 s11, $0x3;
	s11 =	simm.s32 $0x1;
	s28 =	sadd.s32 s8, s5  }
0xc: {  	s26 =	sadd.s32 s7, s5;
	s5 =	sor.u32 $0x1C01, s31;
	s6 =	sadd.s32 $0x5B9400, s28  }
0xd: {  	s7 =	smax.u32 s30, $0x1;
	s8 =	sadd.s32 $0x2DCC00, s26;
	s9 =	sadd.s32 $0x400, s26  }
.LBB2_1:
0xe: {  	[spmem:s10], [sflag:s5] =	dma.local [hbm:s2], $0x1800  }
0xf: {  	_ =	swait.ge [sflag:s11], $0x1800  }
0x10: {  	[sflag:s11] =	ssyncset.done $0x0  }
0x11: {  	[sflag:s11] =	ssyncadd.s32 $0xFFFFE800  }
0x12: {  	s14 =	sadd.s32 $0x0, s9;
	[bflag:$0x0] =	sbarrier.arrive $0xFFFF  }
0x13: {  	[tilespmem:s4], [sflag:$0x1] =	stream.linear.gather [hbm4b:s14+s4], $0x7530, $0x38;
	[tilespmem:$0x1AA60] =	vst v63  }
0x14: {  	_ =	swait.ge [sflag:s11], $0x7530  }
0x15: {  	[sflag:s11] =	ssyncset.done $0x0  }
0x16: {  	s31 =	sadd.s32 $0x0, s8;
	[sflag:s11] =	ssyncadd.s32 $0xFFFF8AD0  }
0x17: {  	[tilespmem:s12], [sflag:$0x1] =	stream.linear.gather [hbm4b:s31+s4], $0x7530, $0x38;
	[tilespmem:$0x1AA60] =	vst v63  }
0x18: {  	_ =	swait.ge [sflag:s11], $0x7530  }
0x19: {  	[sflag:s11] =	ssyncset.done $0x0  }
0x1a: {  	[sflag:s11] =	ssyncadd.s32 $0xFFFF8AD0  }
0x1b: {  	[spmem:s3] =	stream.indirect.scatter.add.f32 [tilespmem:s12], [sflag:$0x1], $0x1, s4, s12, $0xb8;
	[tilespmem:$0x1AA60] =	vst v63  }
0x1c: {  	_ =	swait.ge [sflag:s11], $0x7530  }
0x1d: {  	s15 =	simm.s32 $0x1D4C;
	s14 =	simm.s32 $0xEA6;
	[sflag:s11] =	ssyncset.done $0x0  }
.LBB2_2:
0x1e: {  	s16 =	sadd.s32 s14, s9  }
0x1f: {  	[sflag:s11] =	ssyncadd.s32 $0xFFFF8AD0;
	s17 =	smov.u32 s15;
	s18 =	sadd.s32 $0xEA6, s15  }
0x20: {  	[tilespmem:s4], [sflag:$0x1] =	stream.linear.gather [hbm4b:s16+s4], $0x7530, $0x38;
	[tilespmem:$0x1AA60] =	vst v63  }
0x21: {  	p0 =	sne.s32 s15, $0x15F90;
	_ =	swait.ge [sflag:s11], $0x7530  }
0x22: {  	[sflag:s11] =	ssyncset.done $0x0  }
0x23: {  	s15 =	sadd.s32 s14, s8;
	s14 =	smov.u32 s17;
	[sflag:s11] =	ssyncadd.s32 $0xFFFF8AD0  }
0x24: {  	[tilespmem:s12], [sflag:$0x1] =	stream.linear.gather [hbm4b:s15+s4], $0x7530, $0x38;
	[tilespmem:$0x1AA60] =	vst v63  }
0x25: {  	_ =	swait.ge [sflag:s11], $0x7530  }
.Ltmp0:
0x26: {  	[sflag:s11] =	ssyncset.done $0x0;
	(pc) =	sbr.rel @p0 .LBB2_2-.Ltmp0, $4  }
0x27: {  	[sflag:s11] =	ssyncadd.s32 $0xFFFF8AD0  }
0x28: {  	[spmem:s3] =	stream.indirect.scatter.add.f32 [tilespmem:s12], [sflag:$0x1], $0x1, s4, s12, $0xb8;
	[tilespmem:$0x1AA60] =	vst v63  }
0x29: {  	_ =	swait.ge [sflag:s11], $0x7530  }
0x2a: {  	s15 =	smov.u32 s18;
	[sflag:s11] =	ssyncset.done $0x0  }
0x2b: {  	s15 =	sadd.s32 s14, s9;
	[sflag:s11] =	ssyncadd.s32 $0xFFFF8AD0  }
0x2c: {  	[tilespmem:s4], [sflag:$0x1] =	stream.linear.gather [hbm4b:s15+s4], $0x7530, $0x38;
	[tilespmem:$0x1AA60] =	vst v63  }
0x2d: {  	_ =	swait.ge [sflag:s11], $0x7530  }
0x2e: {  	[sflag:s11] =	ssyncset.done $0x0  }
0x2f: {  	s31 =	sadd.s32 s14, s8;
	[sflag:s11] =	ssyncadd.s32 $0xFFFF8AD0  }
0x30: {  	[tilespmem:s12], [sflag:$0x1] =	stream.linear.gather [hbm4b:s31+s4], $0x7530, $0x38;
	[tilespmem:$0x1AA60] =	vst v63  }
0x31: {  	_ =	swait.ge [sflag:s11], $0x7530  }
0x32: {  	[sflag:s11] =	ssyncset.done $0x0  }
0x33: {  	[sflag:s11] =	ssyncadd.s32 $0xFFFF8AD0  }
0x34: {  	[spmem:s3] =	stream.indirect.scatter.add.f32 [tilespmem:s12], [sflag:$0x1], $0x1, s4, s12, $0xb8;
	[tilespmem:$0x1AA60] =	vst v63  }
0x35: {  	_ =	swait.ge [sflag:s11], $0x7530  }
0x36: {  	s13 =	sadd.s32 $0x1, s13;
	[sflag:s11] =	ssyncset.done $0x0  }
0x37: {  	p0 =	sne.s32 s13, s7;
	[sflag:s11] =	ssyncadd.s32 $0xFFFF8AD0  }
.Ltmp1:
0x38: {  	[bflag:$0x0] =	sbarrier.arrive $0xFFFF;
	(pc) =	sbr.rel @p0 .LBB2_1-.Ltmp1, $4  }
0x39: {  	[hbm:s6], [sflag:s5] =	dma.local [spmem:s10], $0x1800  }
0x3a: {  	_ =	swait.ge [sflag:s11], $0x1800  }
0x3b: {  	[sflag:s11] =	ssyncset.done $0x0  }
0x3c: {  	[sflag:s11] =	ssyncadd.s32 $0xFFFFE800  }
0x3d: {  	_ =	sfence.sel $0x180000  }
0x3e: {  	[bflag:$0x0] =	sbarrier.arrive $0xFFFF  }
0x3f: {  	p0 =	sne.s32 s0, $0x0;
	_ =	strace $0x90000047  }
0x40: {  	s0 =	sadd.s32 @!p0 $0x100000, s1;
	[bflag:$0x2] =	sbarrier.arrive $0xFFFF  }
0x41: {  	[sflag:s0] =	ssyncadd.tile.s32 @!p0 $0x1;
	_ =	shalt  }
.Lfunc_end2:
_tile_overlayer_lowered:
.L_overlay_start_2:
0x42: {  	(tag) =	ssettag $0x2  }
0x43: {  	s0 =	rddreg [dreg:$0x0];
	s2 =	stileid.u32  }
0x44: {  	s1 =	rddreg [dreg:$0x1];
	p0 =	sne.s32 s2, $0x0  }
0x45: {  	s3 =	rddreg [dreg:$0x2];
	[bflag:$0x3] =	sbarrier.arrive $0xFFFF;
	s2 =	simm.s32 @!p0 $0x1C01  }
0x46: {  	[timem:s3], [sflag:s2] =	dma.local @!p0 [hbm:s0], s1  }
0x47: {  	s0 =	simm.s32 @!p0 $0x1  }
0x48: {  	_ =	swait.ge @!p0 [sflag:s0], s1  }
0x49: {  	s1 =	ssub.s32 @!p0 $0x0, s1;
	[sflag:s0] =	ssyncset.done @!p0 $0x0  }
0x4a: {  	[sflag:s0] =	ssyncadd.s32 @!p0 s1  }
0x4b: {  	[bflag:$0x3] =	sbarrier.arrive $0xFFFF  }
0x4c: {  	_ =	shalt  }

</sc_bundles>
